<compile_context>
chip_gen: v7x
topology: tpu7x:2x2x1
jax: 0.10.2.dev20260603
libtpu: 0.0.44.dev20260713+nightly
codegen_flags: <defaults>
</compile_context>

<pallas_src>
import jax
import jax.numpy as jnp
from jax.experimental import pallas as pl
from jax.experimental.pallas import tpu as pltpu

_NUM_CLASSES = 3
_NUM_ANC = 5
_B, _H, _W = 128, 52, 52
_HW = _H * _W
_N = _HW * _NUM_ANC
_CH = 1 + _NUM_CLASSES + 4
_IB = 4


def _bce(logits, targets):
    return (jnp.maximum(logits, 0.0) - logits * targets
            + jnp.log1p(jnp.exp(-jnp.abs(logits))))


def _loss_kernel(p_ref, g_ref, out_ref, acc):
    step = pl.program_id(0)

    @pl.when(step == 0)
    def _init():
        for k in range(6):
            acc[k] = 0.0

    gc = g_ref[:, 0, :]
    mp = (gc > 0.5).astype(jnp.float32)
    mn = (jnp.abs(gc) < 0.5).astype(jnp.float32)
    pc = jax.nn.sigmoid(p_ref[:, 0, :])
    dv = pc - gc
    acc[0] += jnp.sum(dv * dv * (5.0 * mp + mn))
    acc[4] += jnp.sum(mp)

    t2 = 0.0
    for j in range(1, 1 + _NUM_CLASSES):
        t2 += jnp.sum(_bce(p_ref[:, j, :], g_ref[:, j, :]) * mp)
    acc[1] += t2

    mw = mp * g_ref[:, 8, :]
    t3 = 0.0
    for j in (4, 5):
        t3 += jnp.sum(_bce(p_ref[:, j, :], g_ref[:, j, :]) * mw)
    acc[2] += t3

    t4 = 0.0
    for j in (6, 7):
        d = p_ref[:, j, :] - g_ref[:, j, :]
        t4 += jnp.sum(d * d * mw)
    acc[3] += t4

    @pl.when(step == pl.num_programs(0) - 1)
    def _fin():
        npos = jnp.maximum(acc[4], 1.0)
        out_ref[0] = ((acc[0] + acc[2] + acc[3]) / float(_B)
                      + acc[1] / npos)


def kernel(pyolos, gyolos):
    pn = (pyolos.reshape(_B, _CH, _NUM_ANC, _HW)
          .transpose(0, 1, 3, 2)
          .reshape(_B, _CH, _N))
    gt = jnp.transpose(gyolos, (0, 2, 1))
    out = pl.pallas_call(
        _loss_kernel,
        grid=(_B // _IB,),
        in_specs=[
            pl.BlockSpec((_IB, _CH, _N), lambda i: (i, 0, 0)),
            pl.BlockSpec((_IB, 13, _N), lambda i: (i, 0, 0)),
        ],
        out_specs=pl.BlockSpec(memory_space=pltpu.SMEM),
        out_shape=jax.ShapeDtypeStruct((1,), jnp.float32),
        scratch_shapes=[pltpu.SMEM((8,), jnp.float32)],
        compiler_params=pltpu.CompilerParams(
            dimension_semantics=("arbitrary",)),
    )(pn, gt)
    return out[0]

# --- scband reference (transcript-rebuilt; emitter-appended) ---
"""Pipeline reference for scband-loss-yolo-v2-20358144983134 (READ-ONLY COPY).

The authoritative reference and input builder live on the scoring server;
editing this copy changes nothing except your own understanding.
"""

import jax, jax.numpy as jnp
import numpy as np

NUM_CLASSES = 3
NUM_ANC = 5
DIM = 1 + NUM_CLASSES + 4 + 1 + 4  # 13: [conf, onehot_cls(3), txywh(4), weight, gbox_ltrb(4)]
B, H, W = 128, 52, 52


def setup_inputs(seed: int = 0) -> dict:
    key = jax.random.key(seed)
    k1, k2, k3, k4, k5, k6, k7 = jax.random.split(key, 7)
    C = (1 + NUM_CLASSES + 4) * NUM_ANC  # 40
    pyolos = jax.random.normal(k1, (B, C, H, W), dtype=jnp.float32)
    N = H * W * NUM_ANC
    u = jax.random.uniform(k2, (B, N))
    pos = u < 0.02
    ign = (u >= 0.02) & (u < 0.03)
    gconf = jnp.where(pos, 1.0, jnp.where(ign, -1.0, 0.0)).astype(jnp.float32)
    cls_idx = jax.random.randint(k3, (B, N), 0, NUM_CLASSES)
    gcls = jax.nn.one_hot(cls_idx, NUM_CLASSES, dtype=jnp.float32)
    gtxty = jax.random.uniform(k4, (B, N, 2), dtype=jnp.float32)
    gtwth = jax.random.normal(k5, (B, N, 2), dtype=jnp.float32)
    weight = 2.0 - jax.random.uniform(k6, (B, N), dtype=jnp.float32)
    gltrb = jax.random.uniform(k7, (B, N, 4), dtype=jnp.float32)
    gyolos = jnp.concatenate([gconf[..., None], gcls, gtxty, gtwth, weight[..., None], gltrb], axis=-1)
    return {"pyolos": pyolos, "gyolos": gyolos}


def _bce_logits(logits, targets):
    # numerically-stable binary_cross_entropy_with_logits, reduction='none'
    return jnp.maximum(logits, 0.0) - logits * targets + jnp.log1p(jnp.exp(-jnp.abs(logits)))


def reference(pyolos, gyolos):
    b, c, h, w = pyolos.shape
    s_ = 1 + NUM_CLASSES
    # pyolos.view(b, 1+NC+4, NUM_ANC, -1).permute(0,3,2,1).view(b, -1, 1+NC+4)
    p = pyolos.reshape(b, s_ + 4, NUM_ANC, h * w)
    p = jnp.transpose(p, (0, 3, 2, 1)).reshape(b, -1, s_ + 4)
    pconf = jax.nn.sigmoid(p[:, :, 0])
    gconf = gyolos[:, :, 0]
    weight = gyolos[:, :, 8]  # hardcoded index 1+NUM_CLASSES+4 with NUM_CLASSES=3
    mask_pos = (gconf == 1.0).astype(jnp.float32)
    mask_neg = (gconf == 0.0).astype(jnp.float32)
    _loss_val = (pconf - gconf) ** 2  # mse_loss reduction='none'
    loss_conf_pos = (_loss_val * mask_pos).sum(-1).mean() * 5.0
    loss_conf_neg = (_loss_val * mask_neg).sum(-1).mean() * 1.0
    pcls = p[:, :, 1:s_]
    gcls = gyolos[:, :, 1:s_]
    bce_cls = _bce_logits(pcls, gcls).sum(-1)
    npos = jnp.maximum(mask_pos.sum(), 1.0)
    # equivalent to masked-select then .sum(-1).mean() over positive rows
    loss_cls = (bce_cls * mask_pos).sum() / npos
    ptxty = p[:, :, s_:s_ + 2]
    ptwth = p[:, :, s_ + 2:s_ + 4]
    gtxty = gyolos[:, :, s_:s_ + 2]
    gtwth = gyolos[:, :, s_ + 2:s_ + 4]
    lv_xy = _bce_logits(ptxty, gtxty).sum(-1)
    loss_txty = (lv_xy * mask_pos * weight).sum(-1).mean()
    lv_wh = ((ptwth - gtwth) ** 2).sum(-1)
    loss_twth = (lv_wh * mask_pos * weight).sum(-1).mean()
    loss_total = loss_conf_pos + loss_conf_neg + loss_cls + loss_txty + loss_twth
    return loss_total

if __name__ == "__main__":
    import jax
    _d = setup_inputs()
    print(jax.jit(kernel)(*tuple(_d.values())))

</pallas_src>

<mosaic_0001>
module attributes {stable_mosaic.version = 14 : i64} {
  func.func @_loss_kernel(%arg0: i32, %arg1: memref<4x8x13520xf32, #tpu.memory_space<vmem>>, %arg2: memref<4x13x13520xf32, #tpu.memory_space<vmem>>, %arg3: memref<1xf32, #tpu.memory_space<smem>>, %arg4: memref<8xf32, #tpu.memory_space<smem>>) attributes {dimension_semantics = [#tpu.dimension_semantics<arbitrary>], iteration_bounds = array<i64: 32>, scalar_prefetch = 0 : i64, scratch_operands = 1 : i64, tpu.core_type = #tpu.core_type<tc>, window_params = [{transform_indices = @transform_0, window_bounds = array<i64: 4, 8, 13520>}, {transform_indices = @transform_1, window_bounds = array<i64: 4, 13, 13520>}, {transform_indices = @transform_2, window_bounds = array<i64: 1>}]} {
    %eq3A = arith.constant 0 : i32
    %eq3A_0 = arith.cmpi eq, %arg0, %eq3A : i32
    %convert_element_type3A = arith.extui %eq3A_0 : i1 to i32
    %cond3A = arith.constant 0 : i32
    %cond3A_1 = arith.cmpi ne, %convert_element_type3A, %cond3A : i32
    scf.if %cond3A_1 {
      %swap3A_254 = arith.constant 0.000000e+00 : f32
      %swap3A_255 = arith.constant 0 : index
      %swap3A_256 = memref.load %arg4[%swap3A_255] : memref<8xf32, #tpu.memory_space<smem>>
      memref.store %swap3A_254, %arg4[%swap3A_255] : memref<8xf32, #tpu.memory_space<smem>>
      %swap3A_257 = arith.constant 0.000000e+00 : f32
      %swap3A_258 = arith.constant 1 : index
      %swap3A_259 = memref.load %arg4[%swap3A_258] : memref<8xf32, #tpu.memory_space<smem>>
      memref.store %swap3A_257, %arg4[%swap3A_258] : memref<8xf32, #tpu.memory_space<smem>>
      %swap3A_260 = arith.constant 0.000000e+00 : f32
      %swap3A_261 = arith.constant 2 : index
      %swap3A_262 = memref.load %arg4[%swap3A_261] : memref<8xf32, #tpu.memory_space<smem>>
      memref.store %swap3A_260, %arg4[%swap3A_261] : memref<8xf32, #tpu.memory_space<smem>>
      %swap3A_263 = arith.constant 0.000000e+00 : f32
      %swap3A_264 = arith.constant 3 : index
      %swap3A_265 = memref.load %arg4[%swap3A_264] : memref<8xf32, #tpu.memory_space<smem>>
      memref.store %swap3A_263, %arg4[%swap3A_264] : memref<8xf32, #tpu.memory_space<smem>>
      %swap3A_266 = arith.constant 0.000000e+00 : f32
      %swap3A_267 = arith.constant 4 : index
      %swap3A_268 = memref.load %arg4[%swap3A_267] : memref<8xf32, #tpu.memory_space<smem>>
      memref.store %swap3A_266, %arg4[%swap3A_267] : memref<8xf32, #tpu.memory_space<smem>>
      %swap3A_269 = arith.constant 0.000000e+00 : f32
      %swap3A_270 = arith.constant 5 : index
      %swap3A_271 = memref.load %arg4[%swap3A_270] : memref<8xf32, #tpu.memory_space<smem>>
      memref.store %swap3A_269, %arg4[%swap3A_270] : memref<8xf32, #tpu.memory_space<smem>>
    } else {
    }
    %get3A = arith.constant 0 : index
    %get3A_2 = arith.constant 0 : index
    %get3A_3 = arith.constant 0 : index
    %get3A_4 = vector.load %arg2[%get3A, %get3A_2, %get3A_3] : memref<4x13x13520xf32, #tpu.memory_space<vmem>>, vector<4x1x13520xf32>
    %get3A_5 = vector.shape_cast %get3A_4 : vector<4x1x13520xf32> to vector<4x13520xf32>
    %gt3A = arith.constant 5.000000e-01 : f32
    %gt3A_6 = vector.broadcast %gt3A : f32 to vector<4x13520xf32>
    %gt3A_7 = arith.cmpf ogt, %get3A_5, %gt3A_6 : vector<4x13520xf32>
    %convert_element_type3A_8 = arith.extui %gt3A_7 : vector<4x13520xi1> to vector<4x13520xi32>
    %convert_element_type3A_9 = arith.sitofp %convert_element_type3A_8 : vector<4x13520xi32> to vector<4x13520xf32>
    %abs3A = math.absf %get3A_5 : vector<4x13520xf32>
    %lt3A = arith.constant 5.000000e-01 : f32
    %lt3A_10 = vector.broadcast %lt3A : f32 to vector<4x13520xf32>
    %lt3A_11 = arith.cmpf olt, %abs3A, %lt3A_10 : vector<4x13520xf32>
    %convert_element_type3A_12 = arith.extui %lt3A_11 : vector<4x13520xi1> to vector<4x13520xi32>
    %convert_element_type3A_13 = arith.sitofp %convert_element_type3A_12 : vector<4x13520xi32> to vector<4x13520xf32>
    %get3A_14 = arith.constant 0 : index
    %get3A_15 = arith.constant 0 : index
    %get3A_16 = arith.constant 0 : index
    %get3A_17 = vector.load %arg1[%get3A_14, %get3A_15, %get3A_16] : memref<4x8x13520xf32, #tpu.memory_space<vmem>>, vector<4x1x13520xf32>
    %get3A_18 = vector.shape_cast %get3A_17 : vector<4x1x13520xf32> to vector<4x13520xf32>
    %logistic3A = arith.negf %get3A_18 : vector<4x13520xf32>
    %logistic3A_19 = math.exp %logistic3A : vector<4x13520xf32>
    %logistic3A_20 = arith.constant 1.000000e+00 : f32
    %logistic3A_21 = vector.broadcast %logistic3A_20 : f32 to vector<4x13520xf32>
    %logistic3A_22 = arith.addf %logistic3A_21, %logistic3A_19 : vector<4x13520xf32>
    %logistic3A_23 = arith.divf %logistic3A_21, %logistic3A_22 : vector<4x13520xf32>
    %sub3A = arith.subf %logistic3A_23, %get3A_5 : vector<4x13520xf32>
    %get3A_24 = arith.constant 0 : index
    %get3A_25 = memref.load %arg4[%get3A_24] : memref<8xf32, #tpu.memory_space<smem>>
    %mul3A = arith.mulf %sub3A, %sub3A : vector<4x13520xf32>
    %mul3A_26 = arith.constant 5.000000e+00 : f32
    %mul3A_27 = vector.broadcast %mul3A_26 : f32 to vector<4x13520xf32>
    %mul3A_28 = arith.mulf %mul3A_27, %convert_element_type3A_9 : vector<4x13520xf32>
    %add3A = arith.addf %mul3A_28, %convert_element_type3A_13 : vector<4x13520xf32>
    %mul3A_29 = arith.mulf %mul3A, %add3A : vector<4x13520xf32>
    %reduce_sum3A = vector.shape_cast %mul3A_29 : vector<4x13520xf32> to vector<1x4x13520xf32>
    %reduce_sum3A_30 = arith.constant dense<0.000000e+00> : vector<1xf32>
    %reduce_sum3A_31 = vector.multi_reduction <add>, %reduce_sum3A, %reduce_sum3A_30 [1, 2] : vector<1x4x13520xf32> to vector<1xf32>
    %reduce_sum3A_32 = vector.shape_cast %reduce_sum3A_31 : vector<1xf32> to vector<1x1x1xf32>
    %reduce_sum3A_33 = vector.extract %reduce_sum3A_32[0, 0, 0] : f32 from vector<1x1x1xf32>
    %add3A_34 = arith.addf %get3A_25, %reduce_sum3A_33 : f32
    %swap3A = arith.constant 0 : index
    %swap3A_35 = memref.load %arg4[%swap3A] : memref<8xf32, #tpu.memory_space<smem>>
    memref.store %add3A_34, %arg4[%swap3A] : memref<8xf32, #tpu.memory_space<smem>>
    %get3A_36 = arith.constant 4 : index
    %get3A_37 = memref.load %arg4[%get3A_36] : memref<8xf32, #tpu.memory_space<smem>>
    %reduce_sum3A_38 = vector.shape_cast %convert_element_type3A_9 : vector<4x13520xf32> to vector<1x4x13520xf32>
    %reduce_sum3A_39 = arith.constant dense<0.000000e+00> : vector<1xf32>
    %reduce_sum3A_40 = vector.multi_reduction <add>, %reduce_sum3A_38, %reduce_sum3A_39 [1, 2] : vector<1x4x13520xf32> to vector<1xf32>
    %reduce_sum3A_41 = vector.shape_cast %reduce_sum3A_40 : vector<1xf32> to vector<1x1x1xf32>
    %reduce_sum3A_42 = vector.extract %reduce_sum3A_41[0, 0, 0] : f32 from vector<1x1x1xf32>
    %add3A_43 = arith.addf %get3A_37, %reduce_sum3A_42 : f32
    %swap3A_44 = arith.constant 4 : index
    %swap3A_45 = memref.load %arg4[%swap3A_44] : memref<8xf32, #tpu.memory_space<smem>>
    memref.store %add3A_43, %arg4[%swap3A_44] : memref<8xf32, #tpu.memory_space<smem>>
    %get3A_46 = arith.constant 0 : index
    %get3A_47 = arith.constant 1 : index
    %get3A_48 = arith.constant 0 : index
    %get3A_49 = vector.load %arg1[%get3A_46, %get3A_47, %get3A_48] : memref<4x8x13520xf32, #tpu.memory_space<vmem>>, vector<4x1x13520xf32>
    %get3A_50 = vector.shape_cast %get3A_49 : vector<4x1x13520xf32> to vector<4x13520xf32>
    %get3A_51 = arith.constant 0 : index
    %get3A_52 = arith.constant 1 : index
    %get3A_53 = arith.constant 0 : index
    %get3A_54 = vector.load %arg2[%get3A_51, %get3A_52, %get3A_53] : memref<4x13x13520xf32, #tpu.memory_space<vmem>>, vector<4x1x13520xf32>
    %get3A_55 = vector.shape_cast %get3A_54 : vector<4x1x13520xf32> to vector<4x13520xf32>
    %max3A = arith.constant 0.000000e+00 : f32
    %max3A_56 = vector.broadcast %max3A : f32 to vector<4x13520xf32>
    %max3A_57 = arith.maximumf %get3A_50, %max3A_56 : vector<4x13520xf32>
    %mul3A_58 = arith.mulf %get3A_50, %get3A_55 : vector<4x13520xf32>
    %sub3A_59 = arith.subf %max3A_57, %mul3A_58 : vector<4x13520xf32>
    %abs3A_60 = math.absf %get3A_50 : vector<4x13520xf32>
    %neg3A = arith.constant 0.000000e+00 : f32
    %neg3A_61 = vector.broadcast %neg3A : f32 to vector<4x13520xf32>
    %neg3A_62 = arith.subf %neg3A_61, %abs3A_60 : vector<4x13520xf32>
    %exp3A = math.exp %neg3A_62 : vector<4x13520xf32>
    %log1p3A = math.log1p %exp3A : vector<4x13520xf32>
    %add3A_63 = arith.addf %sub3A_59, %log1p3A : vector<4x13520xf32>
    %mul3A_64 = arith.mulf %add3A_63, %convert_element_type3A_9 : vector<4x13520xf32>
    %reduce_sum3A_65 = vector.shape_cast %mul3A_64 : vector<4x13520xf32> to vector<1x4x13520xf32>
    %reduce_sum3A_66 = arith.constant dense<0.000000e+00> : vector<1xf32>
    %reduce_sum3A_67 = vector.multi_reduction <add>, %reduce_sum3A_65, %reduce_sum3A_66 [1, 2] : vector<1x4x13520xf32> to vector<1xf32>
    %reduce_sum3A_68 = vector.shape_cast %reduce_sum3A_67 : vector<1xf32> to vector<1x1x1xf32>
    %reduce_sum3A_69 = vector.extract %reduce_sum3A_68[0, 0, 0] : f32 from vector<1x1x1xf32>
    %add3A_70 = arith.constant 0.000000e+00 : f32
    %add3A_71 = arith.addf %add3A_70, %reduce_sum3A_69 : f32
    %get3A_72 = arith.constant 0 : index
    %get3A_73 = arith.constant 2 : index
    %get3A_74 = arith.constant 0 : index
    %get3A_75 = vector.load %arg1[%get3A_72, %get3A_73, %get3A_74] : memref<4x8x13520xf32, #tpu.memory_space<vmem>>, vector<4x1x13520xf32>
    %get3A_76 = vector.shape_cast %get3A_75 : vector<4x1x13520xf32> to vector<4x13520xf32>
    %get3A_77 = arith.constant 0 : index
    %get3A_78 = arith.constant 2 : index
    %get3A_79 = arith.constant 0 : index
    %get3A_80 = vector.load %arg2[%get3A_77, %get3A_78, %get3A_79] : memref<4x13x13520xf32, #tpu.memory_space<vmem>>, vector<4x1x13520xf32>
    %get3A_81 = vector.shape_cast %get3A_80 : vector<4x1x13520xf32> to vector<4x13520xf32>
    %max3A_82 = arith.constant 0.000000e+00 : f32
    %max3A_83 = vector.broadcast %max3A_82 : f32 to vector<4x13520xf32>
    %max3A_84 = arith.maximumf %get3A_76, %max3A_83 : vector<4x13520xf32>
    %mul3A_85 = arith.mulf %get3A_76, %get3A_81 : vector<4x13520xf32>
    %sub3A_86 = arith.subf %max3A_84, %mul3A_85 : vector<4x13520xf32>
    %abs3A_87 = math.absf %get3A_76 : vector<4x13520xf32>
    %neg3A_88 = arith.constant 0.000000e+00 : f32
    %neg3A_89 = vector.broadcast %neg3A_88 : f32 to vector<4x13520xf32>
    %neg3A_90 = arith.subf %neg3A_89, %abs3A_87 : vector<4x13520xf32>
    %exp3A_91 = math.exp %neg3A_90 : vector<4x13520xf32>
    %log1p3A_92 = math.log1p %exp3A_91 : vector<4x13520xf32>
    %add3A_93 = arith.addf %sub3A_86, %log1p3A_92 : vector<4x13520xf32>
    %mul3A_94 = arith.mulf %add3A_93, %convert_element_type3A_9 : vector<4x13520xf32>
    %reduce_sum3A_95 = vector.shape_cast %mul3A_94 : vector<4x13520xf32> to vector<1x4x13520xf32>
    %reduce_sum3A_96 = arith.constant dense<0.000000e+00> : vector<1xf32>
    %reduce_sum3A_97 = vector.multi_reduction <add>, %reduce_sum3A_95, %reduce_sum3A_96 [1, 2] : vector<1x4x13520xf32> to vector<1xf32>
    %reduce_sum3A_98 = vector.shape_cast %reduce_sum3A_97 : vector<1xf32> to vector<1x1x1xf32>
    %reduce_sum3A_99 = vector.extract %reduce_sum3A_98[0, 0, 0] : f32 from vector<1x1x1xf32>
    %add3A_100 = arith.addf %add3A_71, %reduce_sum3A_99 : f32
    %get3A_101 = arith.constant 0 : index
    %get3A_102 = arith.constant 3 : index
    %get3A_103 = arith.constant 0 : index
    %get3A_104 = vector.load %arg1[%get3A_101, %get3A_102, %get3A_103] : memref<4x8x13520xf32, #tpu.memory_space<vmem>>, vector<4x1x13520xf32>
    %get3A_105 = vector.shape_cast %get3A_104 : vector<4x1x13520xf32> to vector<4x13520xf32>
    %get3A_106 = arith.constant 0 : index
    %get3A_107 = arith.constant 3 : index
    %get3A_108 = arith.constant 0 : index
    %get3A_109 = vector.load %arg2[%get3A_106, %get3A_107, %get3A_108] : memref<4x13x13520xf32, #tpu.memory_space<vmem>>, vector<4x1x13520xf32>
    %get3A_110 = vector.shape_cast %get3A_109 : vector<4x1x13520xf32> to vector<4x13520xf32>
    %max3A_111 = arith.constant 0.000000e+00 : f32
    %max3A_112 = vector.broadcast %max3A_111 : f32 to vector<4x13520xf32>
    %max3A_113 = arith.maximumf %get3A_105, %max3A_112 : vector<4x13520xf32>
    %mul3A_114 = arith.mulf %get3A_105, %get3A_110 : vector<4x13520xf32>
    %sub3A_115 = arith.subf %max3A_113, %mul3A_114 : vector<4x13520xf32>
    %abs3A_116 = math.absf %get3A_105 : vector<4x13520xf32>
    %neg3A_117 = arith.constant 0.000000e+00 : f32
    %neg3A_118 = vector.broadcast %neg3A_117 : f32 to vector<4x13520xf32>
    %neg3A_119 = arith.subf %neg3A_118, %abs3A_116 : vector<4x13520xf32>
    %exp3A_120 = math.exp %neg3A_119 : vector<4x13520xf32>
    %log1p3A_121 = math.log1p %exp3A_120 : vector<4x13520xf32>
    %add3A_122 = arith.addf %sub3A_115, %log1p3A_121 : vector<4x13520xf32>
    %mul3A_123 = arith.mulf %add3A_122, %convert_element_type3A_9 : vector<4x13520xf32>
    %reduce_sum3A_124 = vector.shape_cast %mul3A_123 : vector<4x13520xf32> to vector<1x4x13520xf32>
    %reduce_sum3A_125 = arith.constant dense<0.000000e+00> : vector<1xf32>
    %reduce_sum3A_126 = vector.multi_reduction <add>, %reduce_sum3A_124, %reduce_sum3A_125 [1, 2] : vector<1x4x13520xf32> to vector<1xf32>
    %reduce_sum3A_127 = vector.shape_cast %reduce_sum3A_126 : vector<1xf32> to vector<1x1x1xf32>
    %reduce_sum3A_128 = vector.extract %reduce_sum3A_127[0, 0, 0] : f32 from vector<1x1x1xf32>
    %add3A_129 = arith.addf %add3A_100, %reduce_sum3A_128 : f32
    %get3A_130 = arith.constant 1 : index
    %get3A_131 = memref.load %arg4[%get3A_130] : memref<8xf32, #tpu.memory_space<smem>>
    %add3A_132 = arith.addf %get3A_131, %add3A_129 : f32
    %swap3A_133 = arith.constant 1 : index
    %swap3A_134 = memref.load %arg4[%swap3A_133] : memref<8xf32, #tpu.memory_space<smem>>
    memref.store %add3A_132, %arg4[%swap3A_133] : memref<8xf32, #tpu.memory_space<smem>>
    %get3A_135 = arith.constant 0 : index
    %get3A_136 = arith.constant 8 : index
    %get3A_137 = arith.constant 0 : index
    %get3A_138 = vector.load %arg2[%get3A_135, %get3A_136, %get3A_137] : memref<4x13x13520xf32, #tpu.memory_space<vmem>>, vector<4x1x13520xf32>
    %get3A_139 = vector.shape_cast %get3A_138 : vector<4x1x13520xf32> to vector<4x13520xf32>
    %mul3A_140 = arith.mulf %convert_element_type3A_9, %get3A_139 : vector<4x13520xf32>
    %get3A_141 = arith.constant 0 : index
    %get3A_142 = arith.constant 4 : index
    %get3A_143 = arith.constant 0 : index
    %get3A_144 = vector.load %arg1[%get3A_141, %get3A_142, %get3A_143] : memref<4x8x13520xf32, #tpu.memory_space<vmem>>, vector<4x1x13520xf32>
    %get3A_145 = vector.shape_cast %get3A_144 : vector<4x1x13520xf32> to vector<4x13520xf32>
    %get3A_146 = arith.constant 0 : index
    %get3A_147 = arith.constant 4 : index
    %get3A_148 = arith.constant 0 : index
    %get3A_149 = vector.load %arg2[%get3A_146, %get3A_147, %get3A_148] : memref<4x13x13520xf32, #tpu.memory_space<vmem>>, vector<4x1x13520xf32>
    %get3A_150 = vector.shape_cast %get3A_149 : vector<4x1x13520xf32> to vector<4x13520xf32>
    %max3A_151 = arith.constant 0.000000e+00 : f32
    %max3A_152 = vector.broadcast %max3A_151 : f32 to vector<4x13520xf32>
    %max3A_153 = arith.maximumf %get3A_145, %max3A_152 : vector<4x13520xf32>
    %mul3A_154 = arith.mulf %get3A_145, %get3A_150 : vector<4x13520xf32>
    %sub3A_155 = arith.subf %max3A_153, %mul3A_154 : vector<4x13520xf32>
    %abs3A_156 = math.absf %get3A_145 : vector<4x13520xf32>
    %neg3A_157 = arith.constant 0.000000e+00 : f32
    %neg3A_158 = vector.broadcast %neg3A_157 : f32 to vector<4x13520xf32>
    %neg3A_159 = arith.subf %neg3A_158, %abs3A_156 : vector<4x13520xf32>
    %exp3A_160 = math.exp %neg3A_159 : vector<4x13520xf32>
    %log1p3A_161 = math.log1p %exp3A_160 : vector<4x13520xf32>
    %add3A_162 = arith.addf %sub3A_155, %log1p3A_161 : vector<4x13520xf32>
    %mul3A_163 = arith.mulf %add3A_162, %mul3A_140 : vector<4x13520xf32>
    %reduce_sum3A_164 = vector.shape_cast %mul3A_163 : vector<4x13520xf32> to vector<1x4x13520xf32>
    %reduce_sum3A_165 = arith.constant dense<0.000000e+00> : vector<1xf32>
    %reduce_sum3A_166 = vector.multi_reduction <add>, %reduce_sum3A_164, %reduce_sum3A_165 [1, 2] : vector<1x4x13520xf32> to vector<1xf32>
    %reduce_sum3A_167 = vector.shape_cast %reduce_sum3A_166 : vector<1xf32> to vector<1x1x1xf32>
    %reduce_sum3A_168 = vector.extract %reduce_sum3A_167[0, 0, 0] : f32 from vector<1x1x1xf32>
    %add3A_169 = arith.constant 0.000000e+00 : f32
    %add3A_170 = arith.addf %add3A_169, %reduce_sum3A_168 : f32
    %get3A_171 = arith.constant 0 : index
    %get3A_172 = arith.constant 5 : index
    %get3A_173 = arith.constant 0 : index
    %get3A_174 = vector.load %arg1[%get3A_171, %get3A_172, %get3A_173] : memref<4x8x13520xf32, #tpu.memory_space<vmem>>, vector<4x1x13520xf32>
    %get3A_175 = vector.shape_cast %get3A_174 : vector<4x1x13520xf32> to vector<4x13520xf32>
    %get3A_176 = arith.constant 0 : index
    %get3A_177 = arith.constant 5 : index
    %get3A_178 = arith.constant 0 : index
    %get3A_179 = vector.load %arg2[%get3A_176, %get3A_177, %get3A_178] : memref<4x13x13520xf32, #tpu.memory_space<vmem>>, vector<4x1x13520xf32>
    %get3A_180 = vector.shape_cast %get3A_179 : vector<4x1x13520xf32> to vector<4x13520xf32>
    %max3A_181 = arith.constant 0.000000e+00 : f32
    %max3A_182 = vector.broadcast %max3A_181 : f32 to vector<4x13520xf32>
    %max3A_183 = arith.maximumf %get3A_175, %max3A_182 : vector<4x13520xf32>
    %mul3A_184 = arith.mulf %get3A_175, %get3A_180 : vector<4x13520xf32>
    %sub3A_185 = arith.subf %max3A_183, %mul3A_184 : vector<4x13520xf32>
    %abs3A_186 = math.absf %get3A_175 : vector<4x13520xf32>
    %neg3A_187 = arith.constant 0.000000e+00 : f32
    %neg3A_188 = vector.broadcast %neg3A_187 : f32 to vector<4x13520xf32>
    %neg3A_189 = arith.subf %neg3A_188, %abs3A_186 : vector<4x13520xf32>
    %exp3A_190 = math.exp %neg3A_189 : vector<4x13520xf32>
    %log1p3A_191 = math.log1p %exp3A_190 : vector<4x13520xf32>
    %add3A_192 = arith.addf %sub3A_185, %log1p3A_191 : vector<4x13520xf32>
    %mul3A_193 = arith.mulf %add3A_192, %mul3A_140 : vector<4x13520xf32>
    %reduce_sum3A_194 = vector.shape_cast %mul3A_193 : vector<4x13520xf32> to vector<1x4x13520xf32>
    %reduce_sum3A_195 = arith.constant dense<0.000000e+00> : vector<1xf32>
    %reduce_sum3A_196 = vector.multi_reduction <add>, %reduce_sum3A_194, %reduce_sum3A_195 [1, 2] : vector<1x4x13520xf32> to vector<1xf32>
    %reduce_sum3A_197 = vector.shape_cast %reduce_sum3A_196 : vector<1xf32> to vector<1x1x1xf32>
    %reduce_sum3A_198 = vector.extract %reduce_sum3A_197[0, 0, 0] : f32 from vector<1x1x1xf32>
    %add3A_199 = arith.addf %add3A_170, %reduce_sum3A_198 : f32
    %get3A_200 = arith.constant 2 : index
    %get3A_201 = memref.load %arg4[%get3A_200] : memref<8xf32, #tpu.memory_space<smem>>
    %add3A_202 = arith.addf %get3A_201, %add3A_199 : f32
    %swap3A_203 = arith.constant 2 : index
    %swap3A_204 = memref.load %arg4[%swap3A_203] : memref<8xf32, #tpu.memory_space<smem>>
    memref.store %add3A_202, %arg4[%swap3A_203] : memref<8xf32, #tpu.memory_space<smem>>
    %get3A_205 = arith.constant 0 : index
    %get3A_206 = arith.constant 6 : index
    %get3A_207 = arith.constant 0 : index
    %get3A_208 = vector.load %arg1[%get3A_205, %get3A_206, %get3A_207] : memref<4x8x13520xf32, #tpu.memory_space<vmem>>, vector<4x1x13520xf32>
    %get3A_209 = vector.shape_cast %get3A_208 : vector<4x1x13520xf32> to vector<4x13520xf32>
    %get3A_210 = arith.constant 0 : index
    %get3A_211 = arith.constant 6 : index
    %get3A_212 = arith.constant 0 : index
    %get3A_213 = vector.load %arg2[%get3A_210, %get3A_211, %get3A_212] : memref<4x13x13520xf32, #tpu.memory_space<vmem>>, vector<4x1x13520xf32>
    %get3A_214 = vector.shape_cast %get3A_213 : vector<4x1x13520xf32> to vector<4x13520xf32>
    %sub3A_215 = arith.subf %get3A_209, %get3A_214 : vector<4x13520xf32>
    %mul3A_216 = arith.mulf %sub3A_215, %sub3A_215 : vector<4x13520xf32>
    %mul3A_217 = arith.mulf %mul3A_216, %mul3A_140 : vector<4x13520xf32>
    %reduce_sum3A_218 = vector.shape_cast %mul3A_217 : vector<4x13520xf32> to vector<1x4x13520xf32>
    %reduce_sum3A_219 = arith.constant dense<0.000000e+00> : vector<1xf32>
    %reduce_sum3A_220 = vector.multi_reduction <add>, %reduce_sum3A_218, %reduce_sum3A_219 [1, 2] : vector<1x4x13520xf32> to vector<1xf32>
    %reduce_sum3A_221 = vector.shape_cast %reduce_sum3A_220 : vector<1xf32> to vector<1x1x1xf32>
    %reduce_sum3A_222 = vector.extract %reduce_sum3A_221[0, 0, 0] : f32 from vector<1x1x1xf32>
    %add3A_223 = arith.constant 0.000000e+00 : f32
    %add3A_224 = arith.addf %add3A_223, %reduce_sum3A_222 : f32
    %get3A_225 = arith.constant 0 : index
    %get3A_226 = arith.constant 7 : index
    %get3A_227 = arith.constant 0 : index
    %get3A_228 = vector.load %arg1[%get3A_225, %get3A_226, %get3A_227] : memref<4x8x13520xf32, #tpu.memory_space<vmem>>, vector<4x1x13520xf32>
    %get3A_229 = vector.shape_cast %get3A_228 : vector<4x1x13520xf32> to vector<4x13520xf32>
    %get3A_230 = arith.constant 0 : index
    %get3A_231 = arith.constant 7 : index
    %get3A_232 = arith.constant 0 : index
    %get3A_233 = vector.load %arg2[%get3A_230, %get3A_231, %get3A_232] : memref<4x13x13520xf32, #tpu.memory_space<vmem>>, vector<4x1x13520xf32>
    %get3A_234 = vector.shape_cast %get3A_233 : vector<4x1x13520xf32> to vector<4x13520xf32>
    %sub3A_235 = arith.subf %get3A_229, %get3A_234 : vector<4x13520xf32>
    %mul3A_236 = arith.mulf %sub3A_235, %sub3A_235 : vector<4x13520xf32>
    %mul3A_237 = arith.mulf %mul3A_236, %mul3A_140 : vector<4x13520xf32>
    %reduce_sum3A_238 = vector.shape_cast %mul3A_237 : vector<4x13520xf32> to vector<1x4x13520xf32>
    %reduce_sum3A_239 = arith.constant dense<0.000000e+00> : vector<1xf32>
    %reduce_sum3A_240 = vector.multi_reduction <add>, %reduce_sum3A_238, %reduce_sum3A_239 [1, 2] : vector<1x4x13520xf32> to vector<1xf32>
    %reduce_sum3A_241 = vector.shape_cast %reduce_sum3A_240 : vector<1xf32> to vector<1x1x1xf32>
    %reduce_sum3A_242 = vector.extract %reduce_sum3A_241[0, 0, 0] : f32 from vector<1x1x1xf32>
    %add3A_243 = arith.addf %add3A_224, %reduce_sum3A_242 : f32
    %get3A_244 = arith.constant 3 : index
    %get3A_245 = memref.load %arg4[%get3A_244] : memref<8xf32, #tpu.memory_space<smem>>
    %add3A_246 = arith.addf %get3A_245, %add3A_243 : f32
    %swap3A_247 = arith.constant 3 : index
    %swap3A_248 = memref.load %arg4[%swap3A_247] : memref<8xf32, #tpu.memory_space<smem>>
    memref.store %add3A_246, %arg4[%swap3A_247] : memref<8xf32, #tpu.memory_space<smem>>
    %eq3A_249 = arith.constant 31 : i32
    %eq3A_250 = arith.cmpi eq, %arg0, %eq3A_249 : i32
    %convert_element_type3A_251 = arith.extui %eq3A_250 : i1 to i32
    %cond3A_252 = arith.constant 0 : i32
    %cond3A_253 = arith.cmpi ne, %convert_element_type3A_251, %cond3A_252 : i32
    scf.if %cond3A_253 {
      %get3A_254 = arith.constant 4 : index
      %get3A_255 = memref.load %arg4[%get3A_254] : memref<8xf32, #tpu.memory_space<smem>>
      %max3A_256 = arith.constant 1.000000e+00 : f32
      %max3A_257 = arith.maximumf %get3A_255, %max3A_256 : f32
      %get3A_258 = arith.constant 0 : index
      %get3A_259 = memref.load %arg4[%get3A_258] : memref<8xf32, #tpu.memory_space<smem>>
      %get3A_260 = arith.constant 2 : index
      %get3A_261 = memref.load %arg4[%get3A_260] : memref<8xf32, #tpu.memory_space<smem>>
      %add3A_262 = arith.addf %get3A_259, %get3A_261 : f32
      %get3A_263 = arith.constant 3 : index
      %get3A_264 = memref.load %arg4[%get3A_263] : memref<8xf32, #tpu.memory_space<smem>>
      %add3A_265 = arith.addf %add3A_262, %get3A_264 : f32
      %div3A = arith.constant 1.280000e+02 : f32
      %div3A_266 = arith.divf %add3A_265, %div3A : f32
      %get3A_267 = arith.constant 1 : index
      %get3A_268 = memref.load %arg4[%get3A_267] : memref<8xf32, #tpu.memory_space<smem>>
      %div3A_269 = arith.divf %get3A_268, %max3A_257 : f32
      %add3A_270 = arith.addf %div3A_266, %div3A_269 : f32
      %swap3A_271 = arith.constant 0 : index
      %swap3A_272 = memref.load %arg3[%swap3A_271] : memref<1xf32, #tpu.memory_space<smem>>
      memref.store %add3A_270, %arg3[%swap3A_271] : memref<1xf32, #tpu.memory_space<smem>>
    } else {
    }
    return
  }
  func.func @transform_0(%arg0: i32) -> (i32, i32, i32) {
    %c0_i32 = arith.constant 0 : i32
    %c0_i32_0 = arith.constant 0 : i32
    %c0_i32_1 = arith.constant 0 : i32
    return %arg0, %c0_i32, %c0_i32_0 : i32, i32, i32
  }
  func.func @transform_1(%arg0: i32) -> (i32, i32, i32) {
    %c0_i32 = arith.constant 0 : i32
    %c0_i32_0 = arith.constant 0 : i32
    %c0_i32_1 = arith.constant 0 : i32
    return %arg0, %c0_i32, %c0_i32_0 : i32, i32, i32
  }
  func.func @transform_2(%arg0: i32) -> i32 {
    %c0_i32 = arith.constant 0 : i32
    %c0_i32_0 = arith.constant 0 : i32
    return %c0_i32 : i32
  }
}

</mosaic_0001>

<sc_bundles>
// kernel: sparse-core-data-format-call.cloned.1.call-start
scs
called_computation_lowered:
.L_overlay_start_0:
0x0: {  	s1 =	sld [smem:$0x3FD9]  }
0x1: {  	s2 =	sld [smem:$0x3FFE];
	_ =	sdelay $0x1  }
0x2: {  	s3 =	srdreg.scid  }
0x3: {  	s0 =	sand.u32 $0x1, s3  }
0x4: {  	s17 =	sshll.u32 s0, $0xA;
	s1 =	sadd.s32 s2, s1  }
0x5: {  	s1 =	sadd.s32 s1, s17  }
0x6: {  	[smem:$0x3FC6] =	sst s1  }
0x7: {  	_ = 	snop  }
0x8: {  	(tm) =	ssettm $0x1  }
0x9: {  	s18 =	sld [smem:$0x3FFB];
	_ =	sdelay $0x3  }
0xa: {  	_ =	strace s18  }
0xb: {  	s1 =	sld [smem:$0x3FFC];
	_ =	sdelay $0x3  }
0xc: {  	_ =	strace s1  }
0xd: {  	s1 =	sld [smem:$0x3FFD];
	_ =	sdelay $0x3  }
0xe: {  	_ =	strace s1  }
0xf: {  	_ =	strace $0x8FFFFFFF  }
0x10: {  	s19 =	sld [smem:$0x3FDB];
	_ =	sdelay $0x1  }
0x11: {  	s20 =	simm.s32 $_scs_section_size  }
0x12: {  	s4 =	simm.s32 $_size__tile_overlayer_lowered;
	s5 =	simm.s32 $_tile_overlayer_lowered  }
0x13: {  	s23 =	simm.s32 $0x1BFF;
	s22 =	sshll.u32 s5, $0x1;
	s1 =	sadd.s32 s20, s19  }
0x14: {  	s6 =	simm.s32 $0x0;
	s21 =	sshll.u32 s4, $0x1;
	s4 =	sadd.s32 s22, s1  }
0x15: {  	[timem:s6], [sflag:s23] =	dma.local [hbm:s4], s21  }
0x16: {  	_ =	swait.ge [sflag:s23], s21  }
0x17: {  	s2 =	ssub.s32 $0x0, s21;
	[sflag:s23] =	ssyncset.done $0x0  }
0x18: {  	[sflag:s23] =	ssyncadd.s32 s2;
	_ =	sdelay $0x1  }
0x19: {  	s24 =	simm.s32 $0x1B8B  }
0x1a: {  	_ =	swait.ge [sflag:s24], $0x1  }
0x1b: {  	[sflag:s24] =	ssyncset.done $0x0  }
0x1c: {  	s26 =	simm.s32 $0x1B8E;
	s25 =	sld [smem:$0x3FFE];
	[sflag:s24] =	ssyncadd.s32 $0xFFFFFFFF  }
0x1d: {  	s27 =	simm.s32 $execute0_lowered;
	[smem:$0x3FD2] =	sst s26  }
0x1e: {  	s4 =	sshll.u32 s27, $0x1;
	_ =	strace $0x80000046;
	[dreg:$0x1] =	wrdreg $0xFFFFFFFF  }
0x1f: {  	s28 =	simm.s32 $_size_execute0_lowered;
	s1 =	sadd.s32 s1, s4;
	[dreg:$0x0] =	wrdreg $0x0  }
0x20: {  	s4 =	sshll.u32 s28, $0x1;
	[dreg:$0x2] =	wrdreg s1  }
0x21: {  	[dreg:$0x3] =	wrdreg s4  }
0x22: {  	[dreg:$0x4] =	wrdreg $0xC0  }
0x23: {  	_ =	task [dreg:s6], $0x5FFFF  }
0x24: {  	[dreg:$0x1] =	wrdreg $0xFFFFFFFF  }
0x25: {  	[dreg:$0x0] =	wrdreg $0x60  }
0x26: {  	[dreg:$0x2] =	wrdreg s25  }
0x27: {  	[dreg:$0x3] =	wrdreg $0x9  }
0x28: {  	_ =	task.clear_ibuf [dreg:s6], $0x4FFFF;
	_ =	strace $0x90000046  }
0x29: {  	s29 =	simm.s32 $0x9;
	_ =	strace $0x80000048  }
0x2a: {  	_ =	swait.ge [sflag:s29], $0x1  }
0x2b: {  	[sflag:s29] =	ssyncadd.s32 $0xFFFFFFFF  }
0x2c: {  	_ =	strace $0x90000048  }
0x2d: {  	_ =	sfence  }
0x2e: {  	s30 =	sld [smem:$0x0];
	_ =	sdelay $0x2  }
0x2f: {  	s31 =	sshll.u32 s3, $0xD;
	s3 =	sshrl.u32 s3, $0x2  }
0x30: {  	s2 =	sand.u32 $0x4000, s31;
	s1 =	sadd.s32 s3, s30  }
0x31: {  	s0 =	sor.u32 s2, s0;
	s1 =	sshll.u32 s1, $0x11  }
0x32: {  	s0 =	sor.u32 s1, s0  }
0x33: {  	s0 =	sadd.s32 $0x8F2B, s0  }
0x34: {  	[sflag:s0] =	ssyncadd.remote.s32 $0x1  }
0x35: {  	_ =	sfence.sel $0xFFFF  }
0x36: {  	[dreg:$0x0] =	wrdreg $0xFFFFFFFF;
	(pc) =	sbr.abs _section_cstart, $3  }
0x37: {  	[dreg:$0x1] =	wrdreg $0xFFFFFFFF  }
0x38: {  	_ =	task.clear_ibuf [dreg:s6], $0x2FFFF;
	_ =	strace $0x9FFFFFFF  }
0x39: {  	(tm) =	ssettm $0x7FFFFFFF  }
tec
execute0_lowered:
.L_overlay_start_1:
0x0: {  	(tag) =	ssettag $0x1  }
0x1: {  	s0 =	srdreg.scid  }
0x2: {  	s1 =	sshll.u32 s0, $0x4  }
0x3: {  	s6 =	rddreg [dreg:$0x0];
	s0 =	stileid.u32;
	s1 =	sand.u32 $0x10, s1  }
0x4: {  	s7 =	simm.s32 $0x2;
	s15 =	simm.s32 $0x0;
	s1 =	sor.u32 s0, s1  }
0x5: {  	s8 =	simm.s32 $0x400;
	s9 =	simm.s32 $0x1400;
	s2 =	sshll.u32 s1, $0x4  }
0x6: {  	s10 =	simm.s32 $0x0;
	s16 =	simm.s32 $0x0;
	s1 =	ssub.s32 $0xA90, s2  }
0x7: {  	s17 =	simm.s32 $0x0;
	s12 =	simm.s32 $0x0;
	s3 =	sand.u32 $0x1F0, s1  }
0x8: {  	s13 =	simm.s32 $0x0;
	p0 =	sne.s32 s3, $0x0;
	s3 =	simm.s32 $0x1  }
.Ltmp0:
0x9: {  	s4 =	sshrl.u32 s1, $0x9;
	s3 =	simm.s32 @!p0 $0x0;
	(pc) =	sbr.rel .LBB1_1-.Ltmp0, $4  }
0xa: {  	s14 =	simm.s32 $0x0;
	s1 =	rddreg [dreg:$0x1];
	s4 =	sadd.s32 s3, s4  }
0xb: {  	_ =	strace $0x80000047;
	s3 =	simm.s32 $0x1;
	s4 =	smul.u32 $0x5, s4  }
0xc: {  	s5 =	sadd.s32 $0x1C7400, s6;
	s6 =	sadd.s32 $0x400, s6;
	[sflag:s3] =	ssyncpa.u1 $0x0  }
0xd: {  	s11 =	smov.u32 s2;
	[sflag:s7] =	ssyncpa.u1 $0x0;
	s7 =	sadd.s32 $0x1, s4  }
.LBB1_7:
0xe: {  	s18 =	sadd.s32 $0x200, s11  }
0xf: {  	s15 =	simm.s32 $0x1;
	p1 =	sgt.s32 s18, $0xA8F  }
0x10: {  	s15 =	simm.s32 @!p1 $0x0  }
0x11: {  	s19 =	sadd.s32 s15, s12  }
0x12: {  	s21 =	smov.u32 s13;
	s15 =	sadd.s32 $0x8, s13;
	p2 =	sgt.s32 s19, $0x4  }
0x13: {  	s21 =	smov.u32 @p2 s15  }
0x14: {  	p0 =	slt.u32 s14, $0x2;
	s18 =	smov.u32 @p1 s2;
	p1 =	sgt.s32 s21, $0x7  }
0x15: {  	s20 =	simm.s32 @!p0 $0x2;
	s21 =	simm.s32 @p1 $0x0;
	p1 =	sne.s32 s14, s7  }
.Ltmp1:
0x16: {  	_ =	swait.ge @!p0 [sflag:s20], $0x4000;
	(pc) =	sbr.rel @!p1 .LBB1_8-.Ltmp1, $4  }
0x17: {  	s16 =	smov.u32 s12;
	[sflag:s20] =	ssyncset.done @!p0 $0x0  }
0x18: {  	s17 =	smov.u32 s13;
	s10 =	sadd.s32 $0x4000, s10;
	[sflag:s20] =	ssyncadd.s32 @!p0 $0xFFFFC000  }
0x19: {  	s19 =	simm.s32 @p2 $0x0;
	s15 =	smov.u32 s11;
	s11 =	smov.u32 s18  }
0x1a: {  	s12 =	smov.u32 s19;
	s14 =	sadd.s32 $0x1, s14;
	s13 =	smov.u32 s21  }
.LBB1_1:
0x1b: {  	p0 =	sge.u32 s14, s4  }
0x1c: {  	s18 =	sand.u32 @!p0 $0x1FFFFFF, s11  }
0x1d: {  	s19 =	smulhi.u32 @!p0 $0x30792F, s18  }
0x1e: {  	s20 =	smul.u32 @!p0 $0x34D00, s13  }
0x1f: {  	s22 =	smul.u32 @!p0 $0xA900, s12;
	s19 =	sshrl.u32 @!p0 s19, $0x1  }
0x20: {  	s19 =	smul.u32 @!p0 $0xA90, s19  }
0x21: {  	s31 =	sadd.s32 $0xFFFFFFFF, s14;
	s20 =	sadd.s32 @!p0 s5, s20  }
0x22: {  	s21 =	sxor.u32 @!p0 $0xFFFFFFFF, s14;
	s20 =	sadd.s32 @!p0 s22, s20;
	s18 =	ssub.s32 @!p0 s18, s19  }
0x23: {  	s19 =	sshll.u32 @!p0 s21, $0xE;
	s21 =	simm.s32 @!p0 $0x1A6800;
	s18 =	sshll.u32 @!p0 s18, $0x4  }
0x24: {  	s19 =	sand.u32 @!p0 $0x4000, s19;
	s18 =	sadd.s32 @!p0 s18, s20;
	s20 =	simm.s32 @!p0 $0x800  }
0x25: {  	[tilespmem:s19], [sflag:$0x1] =	stream.strided.gather @!p0 [hbm4b:s18+s20], $0x4000, s21, s20, $0x38;
	[tilespmem:$0x10000] =	vst v63  }
0x26: {  	p0 =	sge.u32 s31, s4  }
.Ltmp2:
0x27: {  	_ = 	snop;
	(pc) =	sbr.rel @p0 .LBB1_7-.Ltmp2, $1  }
0x28: {  	_ =	sdelay $0x3  }
0x29: {  	s18 =	sand.u32 $0x4000, s10  }
0x2a: {  	_ =	swait.ge [sflag:s3], $0x4000;
	s21 =	sshll.u32 s14, $0xE;
	s19 =	sor.u32 $0x8040, s18  }
0x2b: {  	s20 =	sor.u32 $0x40, s18;
	[sflag:s3] =	ssyncset.done $0x0;
	s31 =	sand.u32 $0x4000, s21  }
0x2c: {  	s21 =	simm.s32 $0x0;
	[sflag:s3] =	ssyncadd.s32 $0xFFFFC000;
	s18 =	sor.u32 $0x8000, s31  }
.LBB1_3:
0x2d: {  	v0 =	vmov s20;
	_ =	sdelay $0x3  }
0x2e: {  	s23 =	simm.s32 $0x0  }
0x2f: {  	v6 =	vld.idx.msk [tilespmem:v0+s23+$0x30 ss:$0x1], $0xffff  }
0x30: {  	v7 =	vld.idx.msk [tilespmem:v0+s23+$0xFFFFFFC0 ss:$0x1], $0xffff  }
0x31: {  	v5 =	vld.idx.msk [tilespmem:v0+s23+$0xFFFFFFD0 ss:$0x1], $0xffff  }
0x32: {  	v4 =	vld.idx.msk [tilespmem:v0+s23+$0xFFFFFFE0 ss:$0x1], $0xffff  }
0x33: {  	v3 =	vld.idx.msk [tilespmem:v0+s23+$0xFFFFFFF0 ss:$0x1], $0xffff  }
0x34: {  	v1 =	vld.idx.msk [tilespmem:v0+s23+$0x0 ss:$0x1], $0xffff  }
0x35: {  	v2 =	vld.idx.msk [tilespmem:v0+s23+$0x10 ss:$0x1], $0xffff;
	[tilespmem:s19+$0x30] =	vst v6  }
0x36: {  	s22 =	simm.s32 $0x80;
	s24 =	simm.s32 $0x400;
	[tilespmem:s19+$0xFFFFFFC0] =	vst v7;
	v6 =	vld.idx.msk [tilespmem:v0+s23+$0x20 ss:$0x1], $0xffff;
	s23 =	smov.u32 s19  }
.LBB1_4:
0x37: {  	p0 =	sne.s32 s24, $0x1E00;
	v7 =	vld.idx.msk [tilespmem:v0+s22+$0x30 ss:$0x1], $0xffff;
	[tilespmem:s23+$0xFFFFFFD0] =	vst v5  }
0x38: {  	v8 =	vld.idx.msk [tilespmem:v0+s22+$0xFFFFFFC0 ss:$0x1], $0xffff;
	[tilespmem:s23+$0xFFFFFFE0] =	vst v4  }
0x39: {  	v5 =	vld.idx.msk [tilespmem:v0+s22+$0xFFFFFFD0 ss:$0x1], $0xffff;
	[tilespmem:s23+$0xFFFFFFF0] =	vst v3  }
.Ltmp3:
0x3a: {  	v4 =	vld.idx.msk [tilespmem:v0+s22+$0xFFFFFFE0 ss:$0x1], $0xffff;
	[tilespmem:s23+$0x0] =	vst v1;
	(pc) =	sbr.rel @p0 .LBB1_4-.Ltmp3, $4  }
0x3b: {  	v3 =	vld.idx.msk [tilespmem:v0+s22+$0xFFFFFFF0 ss:$0x1], $0xffff;
	[tilespmem:s23+$0x10] =	vst v2  }
0x3c: {  	v1 =	vld.idx.msk [tilespmem:v0+s22+$0x0 ss:$0x1], $0xffff;
	[tilespmem:s23+$0x20] =	vst v6;
	s23 =	sadd.s32 $0x400, s23  }
0x3d: {  	v2 =	vld.idx.msk [tilespmem:v0+s22+$0x10 ss:$0x1], $0xffff;
	[tilespmem:s23+$0x30] =	vst v7  }
0x3e: {  	[tilespmem:s23+$0xFFFFFFC0] =	vst v8;
	v6 =	vld.idx.msk [tilespmem:v0+s22+$0x20 ss:$0x1], $0xffff;
	s22 =	sshra.s32 s24, $0x2;
	s24 =	sadd.s32 $0x200, s24  }
0x3f: {  	_ =	sdelay $0x2  }
0x40: {  	[tilespmem:s23+$0xFFFFFFD0] =	vst v5  }
0x41: {  	v56 =	vld.idx.msk [tilespmem:v0+s22+$0x30 ss:$0x1], $0xffff;
	[tilespmem:s23+$0xFFFFFFE0] =	vst v4  }
0x42: {  	v57 =	vld.idx.msk [tilespmem:v0+s22+$0xFFFFFFC0 ss:$0x1], $0xffff;
	[tilespmem:s23+$0xFFFFFFF0] =	vst v3  }
0x43: {  	v58 =	vld.idx.msk [tilespmem:v0+s22+$0xFFFFFFD0 ss:$0x1], $0xffff;
	[tilespmem:s23+$0x0] =	vst v1  }
0x44: {  	v59 =	vld.idx.msk [tilespmem:v0+s22+$0xFFFFFFE0 ss:$0x1], $0xffff;
	[tilespmem:s23+$0x10] =	vst v2  }
0x45: {  	v60 =	vld.idx.msk [tilespmem:v0+s22+$0xFFFFFFF0 ss:$0x1], $0xffff;
	s31 =	sadd.s32 $0x400, s23;
	[tilespmem:s23+$0x20] =	vst v6  }
0x46: {  	v61 =	vld.idx.msk [tilespmem:v0+s22+$0x0 ss:$0x1], $0xffff;
	[tilespmem:s31+$0x30] =	vst v56  }
0x47: {  	v62 =	vld.idx.msk [tilespmem:v0+s22+$0x10 ss:$0x1], $0xffff;
	s21 =	sadd.s32 $0x1, s21;
	[tilespmem:s31+$0xFFFFFFC0] =	vst v57  }
0x48: {  	v63 =	vld.idx.msk [tilespmem:v0+s22+$0x20 ss:$0x1], $0xffff;
	p0 =	sne.s32 s21, $0x8;
	[tilespmem:s31+$0xFFFFFFD0] =	vst v58  }
.Ltmp4:
0x49: {  	[tilespmem:s31+$0xFFFFFFE0] =	vst v59;
	(pc) =	sbr.rel @p0 .LBB1_3-.Ltmp4, $4  }
0x4a: {  	[tilespmem:s31+$0xFFFFFFF0] =	vst v60  }
0x4b: {  	[tilespmem:s31+$0x0] =	vst v61  }
0x4c: {  	[tilespmem:s31+$0x10] =	vst v62  }
0x4d: {  	s19 =	sadd.s32 $0x80, s19;
	s20 =	sadd.s32 $0x800, s20;
	[tilespmem:s31+$0x20] =	vst v63  }
.Ltmp5:
0x4e: {  	s16 =	sshll.u32 s16, $0x7;
	s17 =	sshll.u32 s17, $0x4;
	(pc) =	sbr.rel .LBB1_7-.Ltmp5, $4  }
0x4f: {  	s15 =	smul.u32 $0x280, s15;
	s17 =	sand.u32 $0x70, s17;
	s16 =	sadd.s32 s6, s16  }
0x50: {  	s16 =	sadd.s32 s17, s16  }
0x51: {  	s15 =	sadd.s32 s15, s16  }
0x52: {  	[hbm4b:s15+s8] =	stream.strided.scatter [tilespmem:s18], [sflag:$0x2], $0x4000, s9, s8, $0x38;
	[tilespmem:$0x10000] =	vst v63  }
.LBB1_8:
0x53: {  	_ =	sfence.sel $0x180000  }
0x54: {  	s2 =	simm.s32 $0x1;
	[bflag:$0x0] =	sbarrier.arrive $0xFFFF  }
0x55: {  	s31 =	simm.s32 $0x2;
	[sflag:s2] =	ssyncpa.u1 $0x1  }
0x56: {  	[sflag:s31] =	ssyncpa.u1 $0x1  }
0x57: {  	p0 =	sne.s32 s0, $0x0;
	_ =	strace $0x90000047  }
0x58: {  	s0 =	sadd.s32 @!p0 $0x100000, s1;
	[bflag:$0x2] =	sbarrier.arrive $0xFFFF  }
0x59: {  	[sflag:s0] =	ssyncadd.tile.s32 @!p0 $0x1;
	_ =	shalt  }
.Lfunc_end1:
_tile_overlayer_lowered:
.L_overlay_start_2:
0x5a: {  	(tag) =	ssettag $0x2  }
0x5b: {  	s0 =	rddreg [dreg:$0x0];
	s2 =	stileid.u32  }
0x5c: {  	s1 =	rddreg [dreg:$0x1];
	p0 =	sne.s32 s2, $0x0  }
0x5d: {  	s3 =	rddreg [dreg:$0x2];
	[bflag:$0x3] =	sbarrier.arrive $0xFFFF;
	s2 =	simm.s32 @!p0 $0x1C01  }
0x5e: {  	[timem:s3], [sflag:s2] =	dma.local @!p0 [hbm:s0], s1  }
0x5f: {  	s0 =	simm.s32 @!p0 $0x1  }
0x60: {  	_ =	swait.ge @!p0 [sflag:s0], s1  }
0x61: {  	s1 =	ssub.s32 @!p0 $0x0, s1;
	[sflag:s0] =	ssyncset.done @!p0 $0x0  }
0x62: {  	[sflag:s0] =	ssyncadd.s32 @!p0 s1  }
0x63: {  	[bflag:$0x3] =	sbarrier.arrive $0xFFFF  }
0x64: {  	_ =	shalt  }

</sc_bundles>
